<compile_context>
chip_gen: v7x
topology: tpu7x:2x2x1
jax: 0.10.2.dev20260603
libtpu: 0.0.44.dev20260713+nightly
codegen_flags: <defaults>
</compile_context>

<pallas_src>
import functools

import jax
import jax.numpy as jnp
import numpy as np
from jax import lax
from jax.experimental import pallas as pl
from jax.experimental.pallas import tpu as pltpu
from jax.experimental.pallas import tpu_sc as plsc

_CUTOFF_UPPER = 10.0
_ALPHA = 5.0 / _CUTOFF_UPPER
_RBF_PAD = 64


def _rsqrt_newton(x):
    i = lax.bitcast_convert_type(x, jnp.int32)
    i = jnp.int32(0x5F3759DF) - lax.shift_right_arithmetic(i, 1)
    y = lax.bitcast_convert_type(i, jnp.float32)
    for _ in range(2):
        y = y * (1.5 - 0.5 * x * y * y)
    return y


def _make_sc_gather(n_edges, n_nodes, n_groups):
    info = plsc.get_sparse_core_info()
    nc, ns = info.num_cores, info.num_subcores
    nw = nc * ns
    assert n_edges % (nw * 16) == 0
    ch = n_edges // nw

    mesh = plsc.VectorSubcoreMesh(core_axis_name="c", subcore_axis_name="s")

    @functools.partial(
        pl.kernel,
        mesh=mesh,
        compiler_params=pltpu.CompilerParams(
            needs_layout_passes=False, use_tc_tiling_on_sc=False),
        out_type=(
            jax.ShapeDtypeStruct((n_edges,), jnp.float32),
            jax.ShapeDtypeStruct((n_edges,), jnp.float32),
            jax.ShapeDtypeStruct((n_edges,), jnp.float32),
            jax.ShapeDtypeStruct((n_edges,), jnp.float32),
        ),
        scratch_types=[
            pltpu.VMEM((3 * n_nodes,), jnp.float32),
            pltpu.VMEM((3 * n_groups,), jnp.float32),
            pltpu.VMEM((ch,), jnp.int32),
            pltpu.VMEM((ch,), jnp.int32),
            pltpu.VMEM((ch,), jnp.float32),
            pltpu.VMEM((ch,), jnp.float32),
            pltpu.VMEM((ch,), jnp.float32),
            pltpu.VMEM((ch,), jnp.float32),
        ],
    )
    def sc_gather(ei_hbm, node_hbm, group_hbm,
                  w_out, vx_out, vy_out, vz_out,
                  node_v, group_v, src_v, dst_v, w_v, vx_v, vy_v, vz_v):
        wid = lax.axis_index("s") * nc + lax.axis_index("c")
        base = wid * ch
        pltpu.sync_copy(node_hbm, node_v)
        pltpu.sync_copy(group_hbm, group_v)
        pltpu.sync_copy(ei_hbm.at[0, pl.ds(base, ch)], src_v)
        pltpu.sync_copy(ei_hbm.at[1, pl.ds(base, ch)], dst_v)

        def body(i, carry):
            off = i * 16
            s = src_v[pl.ds(off, 16)]
            d = dst_v[pl.ds(off, 16)]
            nx = plsc.load_gather(node_v, [s])
            ny = plsc.load_gather(node_v, [s + n_nodes])
            nz = plsc.load_gather(node_v, [s + 2 * n_nodes])
            gx = plsc.load_gather(group_v, [d])
            gy = plsc.load_gather(group_v, [d + n_groups])
            gz = plsc.load_gather(group_v, [d + 2 * n_groups])
            dx = nx - gx
            dy = ny - gy
            dz = nz - gz
            w2 = dx * dx + dy * dy + dz * dz
            r = _rsqrt_newton(w2)
            w_v[pl.ds(off, 16)] = w2 * r
            vx_v[pl.ds(off, 16)] = dx * r
            vy_v[pl.ds(off, 16)] = dy * r
            vz_v[pl.ds(off, 16)] = dz * r
            return carry

        lax.fori_loop(0, ch // 16, body, 0, unroll=2)
        pltpu.sync_copy(w_v, w_out.at[pl.ds(base, ch)])
        pltpu.sync_copy(vx_v, vx_out.at[pl.ds(base, ch)])
        pltpu.sync_copy(vy_v, vy_out.at[pl.ds(base, ch)])
        pltpu.sync_copy(vz_v, vz_out.at[pl.ds(base, ch)])

    return sc_gather


def _tc_body(w_ref, vx_ref, vy_ref, vz_ref, means_ref, betas_ref, wmat_ref,
             b_ref, attr_ref, vec_ref):
    block = w_ref.shape[0]
    dist = w_ref[...].reshape(1, block)
    cut = 0.5 * (jnp.cos(dist * np.float32(np.pi / _CUTOFF_UPPER)) + 1.0)
    cut = jnp.where(dist < _CUTOFF_UPPER, cut, 0.0)
    t = jnp.exp(dist * np.float32(-_ALPHA))
    diff = t - means_ref[...]
    rbf_t = cut * jnp.exp(-(betas_ref[...]) * diff * diff)
    attr = lax.dot_general(
        rbf_t.astype(jnp.bfloat16), wmat_ref[...], (((0,), (0,)), ((), ())),
        preferred_element_type=jnp.float32)
    attr_ref[...] = attr + b_ref[...]
    vec_ref[...] = jnp.concatenate(
        [vx_ref[...].reshape(1, block), vy_ref[...].reshape(1, block),
         vz_ref[...].reshape(1, block)], axis=0)


def _tc_rbf_vec(w_flat, vx, vy, vz, means_p, betas_p, wmat_p, b2,
                n_edges, hidden, block):
    nb = -(-n_edges // block)
    row_spec = pl.BlockSpec((block,), lambda i: (i,))
    const2 = lambda i: (0, 0)
    return pl.pallas_call(
        _tc_body,
        grid=(nb,),
        in_specs=[
            row_spec,
            row_spec,
            row_spec,
            row_spec,
            pl.BlockSpec((_RBF_PAD, 1), const2),
            pl.BlockSpec((_RBF_PAD, 1), const2),
            pl.BlockSpec((_RBF_PAD, hidden), const2),
            pl.BlockSpec((1, hidden), const2),
        ],
        out_specs=(
            pl.BlockSpec((block, hidden), lambda i: (i, 0)),
            pl.BlockSpec((3, block), lambda i: (0, i)),
        ),
        out_shape=(
            jax.ShapeDtypeStruct((n_edges, hidden), jnp.float32),
            jax.ShapeDtypeStruct((3, n_edges), jnp.float32),
        ),
        compiler_params=pltpu.CompilerParams(
            dimension_semantics=("arbitrary",)),
    )(w_flat, vx, vy, vz, means_p, betas_p, wmat_p, b2)


def kernel(edge_index, node_pos, group_pos, means, betas, W, b):
    n_edges = edge_index.shape[1]
    n_nodes = node_pos.shape[0]
    n_groups = group_pos.shape[0]
    num_rbf, hidden = W.shape

    node_t = node_pos.T.reshape(-1)
    group_t = group_pos.T.reshape(-1)

    sc_gather = _make_sc_gather(n_edges, n_nodes, n_groups)
    edge_weight, vx, vy, vz = sc_gather(
        edge_index.astype(jnp.int32), node_t, group_t)

    pad = _RBF_PAD - num_rbf
    means_p = jnp.pad(means, (0, pad)).reshape(_RBF_PAD, 1)
    betas_p = jnp.pad(betas, (0, pad)).reshape(_RBF_PAD, 1)
    wmat_p = jnp.pad(W, ((0, pad), (0, 0))).astype(jnp.bfloat16)
    b2 = b.reshape(1, hidden)

    block = 16384
    edge_attr, vec3 = _tc_rbf_vec(
        edge_weight, vx, vy, vz,
        means_p, betas_p, wmat_p, b2, n_edges, hidden, block)
    edge_vec = vec3.T

    return (edge_index, edge_weight, edge_attr, edge_vec)

# --- scband reference (transcript-rebuilt; emitter-appended) ---
"""Pipeline reference for scband-bipartite-edge-feat-init-15607911153856 (READ-ONLY COPY).

The authoritative reference and input builder live on the scoring server;
editing this copy changes nothing except your own understanding.
"""

import jax, jax.numpy as jnp
import numpy as np

CUTOFF_LOWER = 0.0
CUTOFF_UPPER = 10.0
NUM_RBF = 50
HIDDEN = 128
N_NODES = 10000
N_GROUPS = 10000
N_EDGES = 320000


def setup_inputs(seed: int = 0) -> dict:
    key = jax.random.key(seed)
    k1, k2, k3, k4, k5 = jax.random.split(key, 5)
    node_pos = jax.random.normal(k1, (N_NODES, 3), dtype=jnp.float32)
    group_pos = jax.random.normal(k2, (N_GROUPS, 3), dtype=jnp.float32)
    edge_index = jax.random.randint(k3, (2, N_EDGES), 0, N_NODES)
    # ExpNormalSmearing trainable params (torchmd-net initialization)
    start_value = float(np.exp(-CUTOFF_UPPER + CUTOFF_LOWER))
    means = jnp.linspace(start_value, 1.0, NUM_RBF, dtype=jnp.float32)
    betas = jnp.full((NUM_RBF,), (2.0 / NUM_RBF * (1.0 - start_value)) ** -2, dtype=jnp.float32)
    # rbf_linear params (nn.Linear default init)
    bound = 1.0 / np.sqrt(NUM_RBF)
    W = jax.random.uniform(k4, (NUM_RBF, HIDDEN), minval=-bound, maxval=bound, dtype=jnp.float32)
    b = jax.random.uniform(k5, (HIDDEN,), minval=-bound, maxval=bound, dtype=jnp.float32)
    return {"edge_index": edge_index, "node_pos": node_pos, "group_pos": group_pos,
            "means": means, "betas": betas, "W": W, "b": b}


def _cosine_cutoff(dist):
    # CosineCutoff with cutoff_lower=0 (as used inside ExpNormalSmearing)
    cutoffs = 0.5 * (jnp.cos(dist * np.pi / CUTOFF_UPPER) + 1.0)
    return cutoffs * (dist < CUTOFF_UPPER).astype(jnp.float32)


def reference(edge_index, node_pos, group_pos, means, betas, W, b):
    alpha = 5.0 / (CUTOFF_UPPER - CUTOFF_LOWER)
    # gather endpoints (bipartite): src from node_pos, dst from group_pos
    edge_vec = jnp.take(node_pos, edge_index[0], axis=0) - jnp.take(group_pos, edge_index[1], axis=0)
    edge_weight = jnp.sqrt(jnp.sum(edge_vec * edge_vec, axis=1))
    edge_vec = edge_vec / edge_weight[:, None]
    # ExpNormalSmearing
    dist = edge_weight[:, None]
    rbf = _cosine_cutoff(dist) * jnp.exp(-betas * (jnp.exp(alpha * (-dist + CUTOFF_LOWER)) - means) ** 2)
    # rbf_linear
    edge_attr = rbf @ W + b
    return (edge_index, edge_weight, edge_attr, edge_vec)

if __name__ == "__main__":
    import jax
    _d = setup_inputs()
    print(jax.jit(kernel)(*tuple(_d.values())))

</pallas_src>

<mosaic_0001>
#map = affine_map<(d0, d1) -> (0, 0)>
#map1 = affine_map<(d0, d1) -> (0)>
module attributes {stable_mosaic.version = 14 : i64} {
  func.func @sc_gather(%arg0: i32, %arg1: i32, %arg2: memref<2x320000xi32, #tpu.memory_space<hbm>>, %arg3: memref<30000xf32, #tpu.memory_space<hbm>>, %arg4: memref<30000xf32, #tpu.memory_space<hbm>>, %arg5: memref<320000xf32, #tpu.memory_space<hbm>>, %arg6: memref<320000xf32, #tpu.memory_space<hbm>>, %arg7: memref<320000xf32, #tpu.memory_space<hbm>>, %arg8: memref<320000xf32, #tpu.memory_space<hbm>>, %arg9: memref<30000xf32, #tpu.memory_space<vmem>>, %arg10: memref<30000xf32, #tpu.memory_space<vmem>>, %arg11: memref<10000xi32, #tpu.memory_space<vmem>>, %arg12: memref<10000xi32, #tpu.memory_space<vmem>>, %arg13: memref<10000xf32, #tpu.memory_space<vmem>>, %arg14: memref<10000xf32, #tpu.memory_space<vmem>>, %arg15: memref<10000xf32, #tpu.memory_space<vmem>>, %arg16: memref<10000xf32, #tpu.memory_space<vmem>>) attributes {dimension_semantics = [#tpu.dimension_semantics<core_parallel>, #tpu.dimension_semantics<subcore_parallel>], iteration_bounds = array<i64: 2, 16>, scalar_prefetch = 0 : i64, scratch_operands = 8 : i64, tpu.core_type = #tpu.core_type<sc_vector_subcore>, window_params = [{transform_indices = #map}, {transform_indices = #map1}, {transform_indices = #map1}, {transform_indices = #map1}, {transform_indices = #map1}, {transform_indices = #map1}, {transform_indices = #map1}]} {
    %mul3A = arith.constant 2 : i32
    %mul3A_0 = arith.muli %arg1, %mul3A : i32
    %add3A = arith.addi %mul3A_0, %arg0 : i32
    %mul3A_1 = arith.constant 10000 : i32
    %mul3A_2 = arith.muli %add3A, %mul3A_1 : i32
    "tpu.region"() ({
      %run_scoped3A_75 = tpu.sem_alloc : memref<!tpu.dma_semaphore, #tpu.memory_space<semaphore_mem>>
      tpu.enqueue_dma source(%arg3 : memref<30000xf32, #tpu.memory_space<hbm>>) target(%arg9 : memref<30000xf32, #tpu.memory_space<vmem>>) target_semaphore(%run_scoped3A_75 : memref<!tpu.dma_semaphore, #tpu.memory_space<semaphore_mem>>)
      tpu.wait_dma2 semaphore(%run_scoped3A_75 : memref<!tpu.dma_semaphore, #tpu.memory_space<semaphore_mem>>) src(%arg3 : memref<30000xf32, #tpu.memory_space<hbm>>) dst(%arg9 : memref<30000xf32, #tpu.memory_space<vmem>>)
      tpu.yield
    }) : () -> ()
    "tpu.region"() ({
      %run_scoped3A_75 = tpu.sem_alloc : memref<!tpu.dma_semaphore, #tpu.memory_space<semaphore_mem>>
      tpu.enqueue_dma source(%arg4 : memref<30000xf32, #tpu.memory_space<hbm>>) target(%arg10 : memref<30000xf32, #tpu.memory_space<vmem>>) target_semaphore(%run_scoped3A_75 : memref<!tpu.dma_semaphore, #tpu.memory_space<semaphore_mem>>)
      tpu.wait_dma2 semaphore(%run_scoped3A_75 : memref<!tpu.dma_semaphore, #tpu.memory_space<semaphore_mem>>) src(%arg4 : memref<30000xf32, #tpu.memory_space<hbm>>) dst(%arg10 : memref<30000xf32, #tpu.memory_space<vmem>>)
      tpu.yield
    }) : () -> ()
    %run_scoped3A = arith.constant 0 : i32
    "tpu.region"() ({
      %run_scoped3A_75 = tpu.sem_alloc : memref<!tpu.dma_semaphore, #tpu.memory_space<semaphore_mem>>
      %dma_start3A = tpu.memref_slice %arg2[%run_scoped3A, %mul3A_2] : memref<2x320000xi32, #tpu.memory_space<hbm>> -> memref<1x10000xi32, #tpu.memory_space<hbm>>
      %dma_start3A_76 = tpu.memref_squeeze %dma_start3A : memref<1x10000xi32, #tpu.memory_space<hbm>> -> memref<10000xi32, #tpu.memory_space<hbm>>
      %dma_start3A_77 = tpu.memref_slice %arg2[%run_scoped3A, %mul3A_2] : memref<2x320000xi32, #tpu.memory_space<hbm>> -> memref<1x10000xi32, #tpu.memory_space<hbm>>
      %dma_start3A_78 = tpu.memref_squeeze %dma_start3A_77 : memref<1x10000xi32, #tpu.memory_space<hbm>> -> memref<10000xi32, #tpu.memory_space<hbm>>
      tpu.enqueue_dma source(%dma_start3A_78 : memref<10000xi32, #tpu.memory_space<hbm>>) target(%arg11 : memref<10000xi32, #tpu.memory_space<vmem>>) target_semaphore(%run_scoped3A_75 : memref<!tpu.dma_semaphore, #tpu.memory_space<semaphore_mem>>)
      %dma_wait3A = tpu.memref_slice %arg2[%run_scoped3A, %mul3A_2] : memref<2x320000xi32, #tpu.memory_space<hbm>> -> memref<1x10000xi32, #tpu.memory_space<hbm>>
      %dma_wait3A_79 = tpu.memref_squeeze %dma_wait3A : memref<1x10000xi32, #tpu.memory_space<hbm>> -> memref<10000xi32, #tpu.memory_space<hbm>>
      %dma_wait3A_80 = tpu.memref_slice %arg2[%run_scoped3A, %mul3A_2] : memref<2x320000xi32, #tpu.memory_space<hbm>> -> memref<1x10000xi32, #tpu.memory_space<hbm>>
      %dma_wait3A_81 = tpu.memref_squeeze %dma_wait3A_80 : memref<1x10000xi32, #tpu.memory_space<hbm>> -> memref<10000xi32, #tpu.memory_space<hbm>>
      tpu.wait_dma2 semaphore(%run_scoped3A_75 : memref<!tpu.dma_semaphore, #tpu.memory_space<semaphore_mem>>) src(%dma_wait3A_81 : memref<10000xi32, #tpu.memory_space<hbm>>) dst(%arg11 : memref<10000xi32, #tpu.memory_space<vmem>>)
      tpu.yield
    }) : () -> ()
    %run_scoped3A_3 = arith.constant 1 : i32
    "tpu.region"() ({
      %run_scoped3A_75 = tpu.sem_alloc : memref<!tpu.dma_semaphore, #tpu.memory_space<semaphore_mem>>
      %dma_start3A = tpu.memref_slice %arg2[%run_scoped3A_3, %mul3A_2] : memref<2x320000xi32, #tpu.memory_space<hbm>> -> memref<1x10000xi32, #tpu.memory_space<hbm>>
      %dma_start3A_76 = tpu.memref_squeeze %dma_start3A : memref<1x10000xi32, #tpu.memory_space<hbm>> -> memref<10000xi32, #tpu.memory_space<hbm>>
      %dma_start3A_77 = tpu.memref_slice %arg2[%run_scoped3A_3, %mul3A_2] : memref<2x320000xi32, #tpu.memory_space<hbm>> -> memref<1x10000xi32, #tpu.memory_space<hbm>>
      %dma_start3A_78 = tpu.memref_squeeze %dma_start3A_77 : memref<1x10000xi32, #tpu.memory_space<hbm>> -> memref<10000xi32, #tpu.memory_space<hbm>>
      tpu.enqueue_dma source(%dma_start3A_78 : memref<10000xi32, #tpu.memory_space<hbm>>) target(%arg12 : memref<10000xi32, #tpu.memory_space<vmem>>) target_semaphore(%run_scoped3A_75 : memref<!tpu.dma_semaphore, #tpu.memory_space<semaphore_mem>>)
      %dma_wait3A = tpu.memref_slice %arg2[%run_scoped3A_3, %mul3A_2] : memref<2x320000xi32, #tpu.memory_space<hbm>> -> memref<1x10000xi32, #tpu.memory_space<hbm>>
      %dma_wait3A_79 = tpu.memref_squeeze %dma_wait3A : memref<1x10000xi32, #tpu.memory_space<hbm>> -> memref<10000xi32, #tpu.memory_space<hbm>>
      %dma_wait3A_80 = tpu.memref_slice %arg2[%run_scoped3A_3, %mul3A_2] : memref<2x320000xi32, #tpu.memory_space<hbm>> -> memref<1x10000xi32, #tpu.memory_space<hbm>>
      %dma_wait3A_81 = tpu.memref_squeeze %dma_wait3A_80 : memref<1x10000xi32, #tpu.memory_space<hbm>> -> memref<10000xi32, #tpu.memory_space<hbm>>
      tpu.wait_dma2 semaphore(%run_scoped3A_75 : memref<!tpu.dma_semaphore, #tpu.memory_space<semaphore_mem>>) src(%dma_wait3A_81 : memref<10000xi32, #tpu.memory_space<hbm>>) dst(%arg12 : memref<10000xi32, #tpu.memory_space<vmem>>)
      tpu.yield
    }) : () -> ()
    %scan3A = arith.constant 0 : i32
    %scan3A_4 = arith.constant 0 : i32
    %scan3A_5 = arith.constant 624 : i32
    %scan3A_6 = arith.addi %scan3A_4, %scan3A_5 : i32
    %scan3A_7 = arith.constant 2 : i32
    scf.for %scan3A_75 = %scan3A_4 to %scan3A_6 step %scan3A_7  : i32 {
      %mul3A_76 = arith.constant 16 : i32
      %mul3A_77 = arith.muli %scan3A_75, %mul3A_76 : i32
      %get3A_78 = arith.index_cast %mul3A_77 : i32 to index
      %get3A_79 = tpu.vector_load %arg11[%get3A_78] {strides = array<i32>} : memref<10000xi32, #tpu.memory_space<vmem>>, vector<16xi32>,
      %get3A_80 = arith.index_cast %mul3A_77 : i32 to index
      %get3A_81 = tpu.vector_load %arg12[%get3A_80] {strides = array<i32>} : memref<10000xi32, #tpu.memory_space<vmem>>, vector<16xi32>,
      %gather3A_82 = tpu.vector_load_idx %arg9[%get3A_79] : memref<30000xf32, #tpu.memory_space<vmem>>[vector<16xi32>], vector<16xf32>,
      %add3A_83 = arith.constant 10000 : i32
      %add3A_84 = vector.broadcast %add3A_83 : i32 to vector<16xi32>
      %add3A_85 = arith.addi %get3A_79, %add3A_84 : vector<16xi32>
      %gather3A_86 = tpu.vector_load_idx %arg9[%add3A_85] : memref<30000xf32, #tpu.memory_space<vmem>>[vector<16xi32>], vector<16xf32>,
      %add3A_87 = arith.constant 20000 : i32
      %add3A_88 = vector.broadcast %add3A_87 : i32 to vector<16xi32>
      %add3A_89 = arith.addi %get3A_79, %add3A_88 : vector<16xi32>
      %gather3A_90 = tpu.vector_load_idx %arg9[%add3A_89] : memref<30000xf32, #tpu.memory_space<vmem>>[vector<16xi32>], vector<16xf32>,
      %gather3A_91 = tpu.vector_load_idx %arg10[%get3A_81] : memref<30000xf32, #tpu.memory_space<vmem>>[vector<16xi32>], vector<16xf32>,
      %add3A_92 = arith.constant 10000 : i32
      %add3A_93 = vector.broadcast %add3A_92 : i32 to vector<16xi32>
      %add3A_94 = arith.addi %get3A_81, %add3A_93 : vector<16xi32>
      %gather3A_95 = tpu.vector_load_idx %arg10[%add3A_94] : memref<30000xf32, #tpu.memory_space<vmem>>[vector<16xi32>], vector<16xf32>,
      %add3A_96 = arith.constant 20000 : i32
      %add3A_97 = vector.broadcast %add3A_96 : i32 to vector<16xi32>
      %add3A_98 = arith.addi %get3A_81, %add3A_97 : vector<16xi32>
      %gather3A_99 = tpu.vector_load_idx %arg10[%add3A_98] : memref<30000xf32, #tpu.memory_space<vmem>>[vector<16xi32>], vector<16xf32>,
      %sub3A_100 = arith.subf %gather3A_82, %gather3A_91 : vector<16xf32>
      %sub3A_101 = arith.subf %gather3A_86, %gather3A_95 : vector<16xf32>
      %sub3A_102 = arith.subf %gather3A_90, %gather3A_99 : vector<16xf32>
      %mul3A_103 = arith.mulf %sub3A_100, %sub3A_100 : vector<16xf32>
      %mul3A_104 = arith.mulf %sub3A_101, %sub3A_101 : vector<16xf32>
      %add3A_105 = arith.addf %mul3A_103, %mul3A_104 : vector<16xf32>
      %mul3A_106 = arith.mulf %sub3A_102, %sub3A_102 : vector<16xf32>
      %add3A_107 = arith.addf %add3A_105, %mul3A_106 : vector<16xf32>
      %bitcast_convert_type3A_108 = tpu.bitcast %add3A_107 : vector<16xf32> -> vector<16xi32>
      %shift_right_arithmetic3A_109 = arith.constant 1 : i32
      %shift_right_arithmetic3A_110 = vector.broadcast %shift_right_arithmetic3A_109 : i32 to vector<16xi32>
      %shift_right_arithmetic3A_111 = arith.shrsi %bitcast_convert_type3A_108, %shift_right_arithmetic3A_110 : vector<16xi32>
      %sub3A_112 = arith.constant 1597463007 : i32
      %sub3A_113 = vector.broadcast %sub3A_112 : i32 to vector<16xi32>
      %sub3A_114 = arith.subi %sub3A_113, %shift_right_arithmetic3A_111 : vector<16xi32>
      %bitcast_convert_type3A_115 = tpu.bitcast %sub3A_114 : vector<16xi32> -> vector<16xf32>
      %mul3A_116 = arith.constant 5.000000e-01 : f32
      %mul3A_117 = vector.broadcast %mul3A_116 : f32 to vector<16xf32>
      %mul3A_118 = arith.mulf %mul3A_117, %add3A_107 : vector<16xf32>
      %mul3A_119 = arith.mulf %mul3A_118, %bitcast_convert_type3A_115 : vector<16xf32>
      %mul3A_120 = arith.mulf %mul3A_119, %bitcast_convert_type3A_115 : vector<16xf32>
      %sub3A_121 = arith.constant 1.500000e+00 : f32
      %sub3A_122 = vector.broadcast %sub3A_121 : f32 to vector<16xf32>
      %sub3A_123 = arith.subf %sub3A_122, %mul3A_120 : vector<16xf32>
      %mul3A_124 = arith.mulf %bitcast_convert_type3A_115, %sub3A_123 : vector<16xf32>
      %mul3A_125 = arith.constant 5.000000e-01 : f32
      %mul3A_126 = vector.broadcast %mul3A_125 : f32 to vector<16xf32>
      %mul3A_127 = arith.mulf %mul3A_126, %add3A_107 : vector<16xf32>
      %mul3A_128 = arith.mulf %mul3A_127, %mul3A_124 : vector<16xf32>
      %mul3A_129 = arith.mulf %mul3A_128, %mul3A_124 : vector<16xf32>
      %sub3A_130 = arith.constant 1.500000e+00 : f32
      %sub3A_131 = vector.broadcast %sub3A_130 : f32 to vector<16xf32>
      %sub3A_132 = arith.subf %sub3A_131, %mul3A_129 : vector<16xf32>
      %mul3A_133 = arith.mulf %mul3A_124, %sub3A_132 : vector<16xf32>
      %mul3A_134 = arith.mulf %add3A_107, %mul3A_133 : vector<16xf32>
      %swap3A_135 = arith.index_cast %mul3A_77 : i32 to index
      %swap3A_136 = tpu.vector_load %arg13[%swap3A_135] {strides = array<i32>} : memref<10000xf32, #tpu.memory_space<vmem>>, vector<16xf32>,
      tpu.vector_store %arg13[%swap3A_135], %mul3A_134 {strides = array<i32>} : memref<10000xf32, #tpu.memory_space<vmem>>, vector<16xf32>,
      %mul3A_137 = arith.mulf %sub3A_100, %mul3A_133 : vector<16xf32>
      %swap3A_138 = arith.index_cast %mul3A_77 : i32 to index
      %swap3A_139 = tpu.vector_load %arg14[%swap3A_138] {strides = array<i32>} : memref<10000xf32, #tpu.memory_space<vmem>>, vector<16xf32>,
      tpu.vector_store %arg14[%swap3A_138], %mul3A_137 {strides = array<i32>} : memref<10000xf32, #tpu.memory_space<vmem>>, vector<16xf32>,
      %mul3A_140 = arith.mulf %sub3A_101, %mul3A_133 : vector<16xf32>
      %swap3A_141 = arith.index_cast %mul3A_77 : i32 to index
      %swap3A_142 = tpu.vector_load %arg15[%swap3A_141] {strides = array<i32>} : memref<10000xf32, #tpu.memory_space<vmem>>, vector<16xf32>,
      tpu.vector_store %arg15[%swap3A_141], %mul3A_140 {strides = array<i32>} : memref<10000xf32, #tpu.memory_space<vmem>>, vector<16xf32>,
      %mul3A_143 = arith.mulf %sub3A_102, %mul3A_133 : vector<16xf32>
      %swap3A_144 = arith.index_cast %mul3A_77 : i32 to index
      %swap3A_145 = tpu.vector_load %arg16[%swap3A_144] {strides = array<i32>} : memref<10000xf32, #tpu.memory_space<vmem>>, vector<16xf32>,
      tpu.vector_store %arg16[%swap3A_144], %mul3A_143 {strides = array<i32>} : memref<10000xf32, #tpu.memory_space<vmem>>, vector<16xf32>,
      %scan3A_146 = arith.constant 1 : i32
      %scan3A_147 = arith.addi %scan3A_75, %scan3A_146 : i32
      %mul3A_148 = arith.constant 16 : i32
      %mul3A_149 = arith.muli %scan3A_147, %mul3A_148 : i32
      %get3A_150 = arith.index_cast %mul3A_149 : i32 to index
      %get3A_151 = tpu.vector_load %arg11[%get3A_150] {strides = array<i32>} : memref<10000xi32, #tpu.memory_space<vmem>>, vector<16xi32>,
      %get3A_152 = arith.index_cast %mul3A_149 : i32 to index
      %get3A_153 = tpu.vector_load %arg12[%get3A_152] {strides = array<i32>} : memref<10000xi32, #tpu.memory_space<vmem>>, vector<16xi32>,
      %gather3A_154 = tpu.vector_load_idx %arg9[%get3A_151] : memref<30000xf32, #tpu.memory_space<vmem>>[vector<16xi32>], vector<16xf32>,
      %add3A_155 = arith.constant 10000 : i32
      %add3A_156 = vector.broadcast %add3A_155 : i32 to vector<16xi32>
      %add3A_157 = arith.addi %get3A_151, %add3A_156 : vector<16xi32>
      %gather3A_158 = tpu.vector_load_idx %arg9[%add3A_157] : memref<30000xf32, #tpu.memory_space<vmem>>[vector<16xi32>], vector<16xf32>,
      %add3A_159 = arith.constant 20000 : i32
      %add3A_160 = vector.broadcast %add3A_159 : i32 to vector<16xi32>
      %add3A_161 = arith.addi %get3A_151, %add3A_160 : vector<16xi32>
      %gather3A_162 = tpu.vector_load_idx %arg9[%add3A_161] : memref<30000xf32, #tpu.memory_space<vmem>>[vector<16xi32>], vector<16xf32>,
      %gather3A_163 = tpu.vector_load_idx %arg10[%get3A_153] : memref<30000xf32, #tpu.memory_space<vmem>>[vector<16xi32>], vector<16xf32>,
      %add3A_164 = arith.constant 10000 : i32
      %add3A_165 = vector.broadcast %add3A_164 : i32 to vector<16xi32>
      %add3A_166 = arith.addi %get3A_153, %add3A_165 : vector<16xi32>
      %gather3A_167 = tpu.vector_load_idx %arg10[%add3A_166] : memref<30000xf32, #tpu.memory_space<vmem>>[vector<16xi32>], vector<16xf32>,
      %add3A_168 = arith.constant 20000 : i32
      %add3A_169 = vector.broadcast %add3A_168 : i32 to vector<16xi32>
      %add3A_170 = arith.addi %get3A_153, %add3A_169 : vector<16xi32>
      %gather3A_171 = tpu.vector_load_idx %arg10[%add3A_170] : memref<30000xf32, #tpu.memory_space<vmem>>[vector<16xi32>], vector<16xf32>,
      %sub3A_172 = arith.subf %gather3A_154, %gather3A_163 : vector<16xf32>
      %sub3A_173 = arith.subf %gather3A_158, %gather3A_167 : vector<16xf32>
      %sub3A_174 = arith.subf %gather3A_162, %gather3A_171 : vector<16xf32>
      %mul3A_175 = arith.mulf %sub3A_172, %sub3A_172 : vector<16xf32>
      %mul3A_176 = arith.mulf %sub3A_173, %sub3A_173 : vector<16xf32>
      %add3A_177 = arith.addf %mul3A_175, %mul3A_176 : vector<16xf32>
      %mul3A_178 = arith.mulf %sub3A_174, %sub3A_174 : vector<16xf32>
      %add3A_179 = arith.addf %add3A_177, %mul3A_178 : vector<16xf32>
      %bitcast_convert_type3A_180 = tpu.bitcast %add3A_179 : vector<16xf32> -> vector<16xi32>
      %shift_right_arithmetic3A_181 = arith.constant 1 : i32
      %shift_right_arithmetic3A_182 = vector.broadcast %shift_right_arithmetic3A_181 : i32 to vector<16xi32>
      %shift_right_arithmetic3A_183 = arith.shrsi %bitcast_convert_type3A_180, %shift_right_arithmetic3A_182 : vector<16xi32>
      %sub3A_184 = arith.constant 1597463007 : i32
      %sub3A_185 = vector.broadcast %sub3A_184 : i32 to vector<16xi32>
      %sub3A_186 = arith.subi %sub3A_185, %shift_right_arithmetic3A_183 : vector<16xi32>
      %bitcast_convert_type3A_187 = tpu.bitcast %sub3A_186 : vector<16xi32> -> vector<16xf32>
      %mul3A_188 = arith.constant 5.000000e-01 : f32
      %mul3A_189 = vector.broadcast %mul3A_188 : f32 to vector<16xf32>
      %mul3A_190 = arith.mulf %mul3A_189, %add3A_179 : vector<16xf32>
      %mul3A_191 = arith.mulf %mul3A_190, %bitcast_convert_type3A_187 : vector<16xf32>
      %mul3A_192 = arith.mulf %mul3A_191, %bitcast_convert_type3A_187 : vector<16xf32>
      %sub3A_193 = arith.constant 1.500000e+00 : f32
      %sub3A_194 = vector.broadcast %sub3A_193 : f32 to vector<16xf32>
      %sub3A_195 = arith.subf %sub3A_194, %mul3A_192 : vector<16xf32>
      %mul3A_196 = arith.mulf %bitcast_convert_type3A_187, %sub3A_195 : vector<16xf32>
      %mul3A_197 = arith.constant 5.000000e-01 : f32
      %mul3A_198 = vector.broadcast %mul3A_197 : f32 to vector<16xf32>
      %mul3A_199 = arith.mulf %mul3A_198, %add3A_179 : vector<16xf32>
      %mul3A_200 = arith.mulf %mul3A_199, %mul3A_196 : vector<16xf32>
      %mul3A_201 = arith.mulf %mul3A_200, %mul3A_196 : vector<16xf32>
      %sub3A_202 = arith.constant 1.500000e+00 : f32
      %sub3A_203 = vector.broadcast %sub3A_202 : f32 to vector<16xf32>
      %sub3A_204 = arith.subf %sub3A_203, %mul3A_201 : vector<16xf32>
      %mul3A_205 = arith.mulf %mul3A_196, %sub3A_204 : vector<16xf32>
      %mul3A_206 = arith.mulf %add3A_179, %mul3A_205 : vector<16xf32>
      %swap3A_207 = arith.index_cast %mul3A_149 : i32 to index
      %swap3A_208 = tpu.vector_load %arg13[%swap3A_207] {strides = array<i32>} : memref<10000xf32, #tpu.memory_space<vmem>>, vector<16xf32>,
      tpu.vector_store %arg13[%swap3A_207], %mul3A_206 {strides = array<i32>} : memref<10000xf32, #tpu.memory_space<vmem>>, vector<16xf32>,
      %mul3A_209 = arith.mulf %sub3A_172, %mul3A_205 : vector<16xf32>
      %swap3A_210 = arith.index_cast %mul3A_149 : i32 to index
      %swap3A_211 = tpu.vector_load %arg14[%swap3A_210] {strides = array<i32>} : memref<10000xf32, #tpu.memory_space<vmem>>, vector<16xf32>,
      tpu.vector_store %arg14[%swap3A_210], %mul3A_209 {strides = array<i32>} : memref<10000xf32, #tpu.memory_space<vmem>>, vector<16xf32>,
      %mul3A_212 = arith.mulf %sub3A_173, %mul3A_205 : vector<16xf32>
      %swap3A_213 = arith.index_cast %mul3A_149 : i32 to index
      %swap3A_214 = tpu.vector_load %arg15[%swap3A_213] {strides = array<i32>} : memref<10000xf32, #tpu.memory_space<vmem>>, vector<16xf32>,
      tpu.vector_store %arg15[%swap3A_213], %mul3A_212 {strides = array<i32>} : memref<10000xf32, #tpu.memory_space<vmem>>, vector<16xf32>,
      %mul3A_215 = arith.mulf %sub3A_174, %mul3A_205 : vector<16xf32>
      %swap3A_216 = arith.index_cast %mul3A_149 : i32 to index
      %swap3A_217 = tpu.vector_load %arg16[%swap3A_216] {strides = array<i32>} : memref<10000xf32, #tpu.memory_space<vmem>>, vector<16xf32>,
      tpu.vector_store %arg16[%swap3A_216], %mul3A_215 {strides = array<i32>} : memref<10000xf32, #tpu.memory_space<vmem>>, vector<16xf32>,
    }
    %scan3A_8 = arith.constant 624 : i32
    %scan3A_9 = arith.addi %scan3A_4, %scan3A_8 : i32
    %mul3A_10 = arith.constant 16 : i32
    %mul3A_11 = arith.muli %scan3A_9, %mul3A_10 : i32
    %get3A = arith.index_cast %mul3A_11 : i32 to index
    %get3A_12 = tpu.vector_load %arg11[%get3A] {strides = array<i32>} : memref<10000xi32, #tpu.memory_space<vmem>>, vector<16xi32>,
    %get3A_13 = arith.index_cast %mul3A_11 : i32 to index
    %get3A_14 = tpu.vector_load %arg12[%get3A_13] {strides = array<i32>} : memref<10000xi32, #tpu.memory_space<vmem>>, vector<16xi32>,
    %gather3A = tpu.vector_load_idx %arg9[%get3A_12] : memref<30000xf32, #tpu.memory_space<vmem>>[vector<16xi32>], vector<16xf32>,
    %add3A_15 = arith.constant 10000 : i32
    %add3A_16 = vector.broadcast %add3A_15 : i32 to vector<16xi32>
    %add3A_17 = arith.addi %get3A_12, %add3A_16 : vector<16xi32>
    %gather3A_18 = tpu.vector_load_idx %arg9[%add3A_17] : memref<30000xf32, #tpu.memory_space<vmem>>[vector<16xi32>], vector<16xf32>,
    %add3A_19 = arith.constant 20000 : i32
    %add3A_20 = vector.broadcast %add3A_19 : i32 to vector<16xi32>
    %add3A_21 = arith.addi %get3A_12, %add3A_20 : vector<16xi32>
    %gather3A_22 = tpu.vector_load_idx %arg9[%add3A_21] : memref<30000xf32, #tpu.memory_space<vmem>>[vector<16xi32>], vector<16xf32>,
    %gather3A_23 = tpu.vector_load_idx %arg10[%get3A_14] : memref<30000xf32, #tpu.memory_space<vmem>>[vector<16xi32>], vector<16xf32>,
    %add3A_24 = arith.constant 10000 : i32
    %add3A_25 = vector.broadcast %add3A_24 : i32 to vector<16xi32>
    %add3A_26 = arith.addi %get3A_14, %add3A_25 : vector<16xi32>
    %gather3A_27 = tpu.vector_load_idx %arg10[%add3A_26] : memref<30000xf32, #tpu.memory_space<vmem>>[vector<16xi32>], vector<16xf32>,
    %add3A_28 = arith.constant 20000 : i32
    %add3A_29 = vector.broadcast %add3A_28 : i32 to vector<16xi32>
    %add3A_30 = arith.addi %get3A_14, %add3A_29 : vector<16xi32>
    %gather3A_31 = tpu.vector_load_idx %arg10[%add3A_30] : memref<30000xf32, #tpu.memory_space<vmem>>[vector<16xi32>], vector<16xf32>,
    %sub3A = arith.subf %gather3A, %gather3A_23 : vector<16xf32>
    %sub3A_32 = arith.subf %gather3A_18, %gather3A_27 : vector<16xf32>
    %sub3A_33 = arith.subf %gather3A_22, %gather3A_31 : vector<16xf32>
    %mul3A_34 = arith.mulf %sub3A, %sub3A : vector<16xf32>
    %mul3A_35 = arith.mulf %sub3A_32, %sub3A_32 : vector<16xf32>
    %add3A_36 = arith.addf %mul3A_34, %mul3A_35 : vector<16xf32>
    %mul3A_37 = arith.mulf %sub3A_33, %sub3A_33 : vector<16xf32>
    %add3A_38 = arith.addf %add3A_36, %mul3A_37 : vector<16xf32>
    %bitcast_convert_type3A = tpu.bitcast %add3A_38 : vector<16xf32> -> vector<16xi32>
    %shift_right_arithmetic3A = arith.constant 1 : i32
    %shift_right_arithmetic3A_39 = vector.broadcast %shift_right_arithmetic3A : i32 to vector<16xi32>
    %shift_right_arithmetic3A_40 = arith.shrsi %bitcast_convert_type3A, %shift_right_arithmetic3A_39 : vector<16xi32>
    %sub3A_41 = arith.constant 1597463007 : i32
    %sub3A_42 = vector.broadcast %sub3A_41 : i32 to vector<16xi32>
    %sub3A_43 = arith.subi %sub3A_42, %shift_right_arithmetic3A_40 : vector<16xi32>
    %bitcast_convert_type3A_44 = tpu.bitcast %sub3A_43 : vector<16xi32> -> vector<16xf32>
    %mul3A_45 = arith.constant 5.000000e-01 : f32
    %mul3A_46 = vector.broadcast %mul3A_45 : f32 to vector<16xf32>
    %mul3A_47 = arith.mulf %mul3A_46, %add3A_38 : vector<16xf32>
    %mul3A_48 = arith.mulf %mul3A_47, %bitcast_convert_type3A_44 : vector<16xf32>
    %mul3A_49 = arith.mulf %mul3A_48, %bitcast_convert_type3A_44 : vector<16xf32>
    %sub3A_50 = arith.constant 1.500000e+00 : f32
    %sub3A_51 = vector.broadcast %sub3A_50 : f32 to vector<16xf32>
    %sub3A_52 = arith.subf %sub3A_51, %mul3A_49 : vector<16xf32>
    %mul3A_53 = arith.mulf %bitcast_convert_type3A_44, %sub3A_52 : vector<16xf32>
    %mul3A_54 = arith.constant 5.000000e-01 : f32
    %mul3A_55 = vector.broadcast %mul3A_54 : f32 to vector<16xf32>
    %mul3A_56 = arith.mulf %mul3A_55, %add3A_38 : vector<16xf32>
    %mul3A_57 = arith.mulf %mul3A_56, %mul3A_53 : vector<16xf32>
    %mul3A_58 = arith.mulf %mul3A_57, %mul3A_53 : vector<16xf32>
    %sub3A_59 = arith.constant 1.500000e+00 : f32
    %sub3A_60 = vector.broadcast %sub3A_59 : f32 to vector<16xf32>
    %sub3A_61 = arith.subf %sub3A_60, %mul3A_58 : vector<16xf32>
    %mul3A_62 = arith.mulf %mul3A_53, %sub3A_61 : vector<16xf32>
    %mul3A_63 = arith.mulf %add3A_38, %mul3A_62 : vector<16xf32>
    %swap3A = arith.index_cast %mul3A_11 : i32 to index
    %swap3A_64 = tpu.vector_load %arg13[%swap3A] {strides = array<i32>} : memref<10000xf32, #tpu.memory_space<vmem>>, vector<16xf32>,
    tpu.vector_store %arg13[%swap3A], %mul3A_63 {strides = array<i32>} : memref<10000xf32, #tpu.memory_space<vmem>>, vector<16xf32>,
    %mul3A_65 = arith.mulf %sub3A, %mul3A_62 : vector<16xf32>
    %swap3A_66 = arith.index_cast %mul3A_11 : i32 to index
    %swap3A_67 = tpu.vector_load %arg14[%swap3A_66] {strides = array<i32>} : memref<10000xf32, #tpu.memory_space<vmem>>, vector<16xf32>,
    tpu.vector_store %arg14[%swap3A_66], %mul3A_65 {strides = array<i32>} : memref<10000xf32, #tpu.memory_space<vmem>>, vector<16xf32>,
    %mul3A_68 = arith.mulf %sub3A_32, %mul3A_62 : vector<16xf32>
    %swap3A_69 = arith.index_cast %mul3A_11 : i32 to index
    %swap3A_70 = tpu.vector_load %arg15[%swap3A_69] {strides = array<i32>} : memref<10000xf32, #tpu.memory_space<vmem>>, vector<16xf32>,
    tpu.vector_store %arg15[%swap3A_69], %mul3A_68 {strides = array<i32>} : memref<10000xf32, #tpu.memory_space<vmem>>, vector<16xf32>,
    %mul3A_71 = arith.mulf %sub3A_33, %mul3A_62 : vector<16xf32>
    %swap3A_72 = arith.index_cast %mul3A_11 : i32 to index
    %swap3A_73 = tpu.vector_load %arg16[%swap3A_72] {strides = array<i32>} : memref<10000xf32, #tpu.memory_space<vmem>>, vector<16xf32>,
    tpu.vector_store %arg16[%swap3A_72], %mul3A_71 {strides = array<i32>} : memref<10000xf32, #tpu.memory_space<vmem>>, vector<16xf32>,
    %scan3A_74 = arith.constant 625 : i32
    "tpu.region"() ({
      %run_scoped3A_75 = tpu.sem_alloc : memref<!tpu.dma_semaphore, #tpu.memory_space<semaphore_mem>>
      %dma_start3A = tpu.memref_slice %arg5[%mul3A_2] : memref<320000xf32, #tpu.memory_space<hbm>> -> memref<10000xf32, #tpu.memory_space<hbm>>
      %dma_start3A_76 = tpu.memref_slice %arg5[%mul3A_2] : memref<320000xf32, #tpu.memory_space<hbm>> -> memref<10000xf32, #tpu.memory_space<hbm>>
      tpu.enqueue_dma source(%arg13 : memref<10000xf32, #tpu.memory_space<vmem>>) target(%dma_start3A_76 : memref<10000xf32, #tpu.memory_space<hbm>>) target_semaphore(%run_scoped3A_75 : memref<!tpu.dma_semaphore, #tpu.memory_space<semaphore_mem>>)
      %dma_wait3A = tpu.memref_slice %arg5[%mul3A_2] : memref<320000xf32, #tpu.memory_space<hbm>> -> memref<10000xf32, #tpu.memory_space<hbm>>
      %dma_wait3A_77 = tpu.memref_slice %arg5[%mul3A_2] : memref<320000xf32, #tpu.memory_space<hbm>> -> memref<10000xf32, #tpu.memory_space<hbm>>
      tpu.wait_dma2 semaphore(%run_scoped3A_75 : memref<!tpu.dma_semaphore, #tpu.memory_space<semaphore_mem>>) src(%arg13 : memref<10000xf32, #tpu.memory_space<vmem>>) dst(%dma_wait3A_77 : memref<10000xf32, #tpu.memory_space<hbm>>)
      tpu.yield
    }) : () -> ()
    "tpu.region"() ({
      %run_scoped3A_75 = tpu.sem_alloc : memref<!tpu.dma_semaphore, #tpu.memory_space<semaphore_mem>>
      %dma_start3A = tpu.memref_slice %arg6[%mul3A_2] : memref<320000xf32, #tpu.memory_space<hbm>> -> memref<10000xf32, #tpu.memory_space<hbm>>
      %dma_start3A_76 = tpu.memref_slice %arg6[%mul3A_2] : memref<320000xf32, #tpu.memory_space<hbm>> -> memref<10000xf32, #tpu.memory_space<hbm>>
      tpu.enqueue_dma source(%arg14 : memref<10000xf32, #tpu.memory_space<vmem>>) target(%dma_start3A_76 : memref<10000xf32, #tpu.memory_space<hbm>>) target_semaphore(%run_scoped3A_75 : memref<!tpu.dma_semaphore, #tpu.memory_space<semaphore_mem>>)
      %dma_wait3A = tpu.memref_slice %arg6[%mul3A_2] : memref<320000xf32, #tpu.memory_space<hbm>> -> memref<10000xf32, #tpu.memory_space<hbm>>
      %dma_wait3A_77 = tpu.memref_slice %arg6[%mul3A_2] : memref<320000xf32, #tpu.memory_space<hbm>> -> memref<10000xf32, #tpu.memory_space<hbm>>
      tpu.wait_dma2 semaphore(%run_scoped3A_75 : memref<!tpu.dma_semaphore, #tpu.memory_space<semaphore_mem>>) src(%arg14 : memref<10000xf32, #tpu.memory_space<vmem>>) dst(%dma_wait3A_77 : memref<10000xf32, #tpu.memory_space<hbm>>)
      tpu.yield
    }) : () -> ()
    "tpu.region"() ({
      %run_scoped3A_75 = tpu.sem_alloc : memref<!tpu.dma_semaphore, #tpu.memory_space<semaphore_mem>>
      %dma_start3A = tpu.memref_slice %arg7[%mul3A_2] : memref<320000xf32, #tpu.memory_space<hbm>> -> memref<10000xf32, #tpu.memory_space<hbm>>
      %dma_start3A_76 = tpu.memref_slice %arg7[%mul3A_2] : memref<320000xf32, #tpu.memory_space<hbm>> -> memref<10000xf32, #tpu.memory_space<hbm>>
      tpu.enqueue_dma source(%arg15 : memref<10000xf32, #tpu.memory_space<vmem>>) target(%dma_start3A_76 : memref<10000xf32, #tpu.memory_space<hbm>>) target_semaphore(%run_scoped3A_75 : memref<!tpu.dma_semaphore, #tpu.memory_space<semaphore_mem>>)
      %dma_wait3A = tpu.memref_slice %arg7[%mul3A_2] : memref<320000xf32, #tpu.memory_space<hbm>> -> memref<10000xf32, #tpu.memory_space<hbm>>
      %dma_wait3A_77 = tpu.memref_slice %arg7[%mul3A_2] : memref<320000xf32, #tpu.memory_space<hbm>> -> memref<10000xf32, #tpu.memory_space<hbm>>
      tpu.wait_dma2 semaphore(%run_scoped3A_75 : memref<!tpu.dma_semaphore, #tpu.memory_space<semaphore_mem>>) src(%arg15 : memref<10000xf32, #tpu.memory_space<vmem>>) dst(%dma_wait3A_77 : memref<10000xf32, #tpu.memory_space<hbm>>)
      tpu.yield
    }) : () -> ()
    "tpu.region"() ({
      %run_scoped3A_75 = tpu.sem_alloc : memref<!tpu.dma_semaphore, #tpu.memory_space<semaphore_mem>>
      %dma_start3A = tpu.memref_slice %arg8[%mul3A_2] : memref<320000xf32, #tpu.memory_space<hbm>> -> memref<10000xf32, #tpu.memory_space<hbm>>
      %dma_start3A_76 = tpu.memref_slice %arg8[%mul3A_2] : memref<320000xf32, #tpu.memory_space<hbm>> -> memref<10000xf32, #tpu.memory_space<hbm>>
      tpu.enqueue_dma source(%arg16 : memref<10000xf32, #tpu.memory_space<vmem>>) target(%dma_start3A_76 : memref<10000xf32, #tpu.memory_space<hbm>>) target_semaphore(%run_scoped3A_75 : memref<!tpu.dma_semaphore, #tpu.memory_space<semaphore_mem>>)
      %dma_wait3A = tpu.memref_slice %arg8[%mul3A_2] : memref<320000xf32, #tpu.memory_space<hbm>> -> memref<10000xf32, #tpu.memory_space<hbm>>
      %dma_wait3A_77 = tpu.memref_slice %arg8[%mul3A_2] : memref<320000xf32, #tpu.memory_space<hbm>> -> memref<10000xf32, #tpu.memory_space<hbm>>
      tpu.wait_dma2 semaphore(%run_scoped3A_75 : memref<!tpu.dma_semaphore, #tpu.memory_space<semaphore_mem>>) src(%arg16 : memref<10000xf32, #tpu.memory_space<vmem>>) dst(%dma_wait3A_77 : memref<10000xf32, #tpu.memory_space<hbm>>)
      tpu.yield
    }) : () -> ()
    return
  }
}

module attributes {stable_mosaic.version = 14 : i64} {
  func.func @_tc_body(%arg0: i32, %arg1: memref<16384xf32, #tpu.memory_space<vmem>>, %arg2: memref<16384xf32, #tpu.memory_space<vmem>>, %arg3: memref<16384xf32, #tpu.memory_space<vmem>>, %arg4: memref<16384xf32, #tpu.memory_space<vmem>>, %arg5: memref<64x1xf32, #tpu.memory_space<vmem>>, %arg6: memref<64x1xf32, #tpu.memory_space<vmem>>, %arg7: memref<64x128xbf16, #tpu.memory_space<vmem>>, %arg8: memref<1x128xf32, #tpu.memory_space<vmem>>, %arg9: memref<16384x128xf32, #tpu.memory_space<vmem>>, %arg10: memref<3x16384xf32, #tpu.memory_space<vmem>>) attributes {dimension_semantics = [#tpu.dimension_semantics<arbitrary>], iteration_bounds = array<i64: 20>, scalar_prefetch = 0 : i64, scratch_operands = 0 : i64, tpu.core_type = #tpu.core_type<tc>, window_params = [{transform_indices = @transform_0, window_bounds = array<i64: 16384>}, {transform_indices = @transform_1, window_bounds = array<i64: 16384>}, {transform_indices = @transform_2, window_bounds = array<i64: 16384>}, {transform_indices = @transform_3, window_bounds = array<i64: 16384>}, {pipeline_mode = #tpu.pipeline_mode<synchronous>, transform_indices = @transform_4, window_bounds = array<i64: 64, 1>}, {pipeline_mode = #tpu.pipeline_mode<synchronous>, transform_indices = @transform_5, window_bounds = array<i64: 64, 1>}, {pipeline_mode = #tpu.pipeline_mode<synchronous>, transform_indices = @transform_6, window_bounds = array<i64: 64, 128>}, {pipeline_mode = #tpu.pipeline_mode<synchronous>, transform_indices = @transform_7, window_bounds = array<i64: 1, 128>}, {transform_indices = @transform_8, window_bounds = array<i64: 16384, 128>}, {transform_indices = @transform_9, window_bounds = array<i64: 3, 16384>}]} {
    %get3A = arith.constant 0 : index
    %get3A_0 = vector.load %arg1[%get3A] : memref<16384xf32, #tpu.memory_space<vmem>>, vector<16384xf32>
    %reshape3A = vector.shape_cast %get3A_0 : vector<16384xf32> to vector<1x16384xf32>
    %mul3A = arith.constant 0.314159274 : f32
    %mul3A_1 = vector.broadcast %mul3A : f32 to vector<1x16384xf32>
    %mul3A_2 = arith.mulf %reshape3A, %mul3A_1 : vector<1x16384xf32>
    %cos3A = math.cos %mul3A_2 : vector<1x16384xf32>
    %add3A = arith.constant 1.000000e+00 : f32
    %add3A_3 = vector.broadcast %add3A : f32 to vector<1x16384xf32>
    %add3A_4 = arith.addf %cos3A, %add3A_3 : vector<1x16384xf32>
    %mul3A_5 = arith.constant 5.000000e-01 : f32
    %mul3A_6 = vector.broadcast %mul3A_5 : f32 to vector<1x16384xf32>
    %mul3A_7 = arith.mulf %mul3A_6, %add3A_4 : vector<1x16384xf32>
    %lt3A = arith.constant 1.000000e+01 : f32
    %lt3A_8 = vector.broadcast %lt3A : f32 to vector<1x16384xf32>
    %lt3A_9 = arith.cmpf olt, %reshape3A, %lt3A_8 : vector<1x16384xf32>
    %jit3A = arith.constant 0.000000e+00 : f32
    %broadcast_in_dim3A = vector.broadcast %jit3A : f32 to vector<1x16384xf32>
    %select_n3A = arith.select %lt3A_9, %mul3A_7, %broadcast_in_dim3A : vector<1x16384xi1>, vector<1x16384xf32>
    %mul3A_10 = arith.constant -5.000000e-01 : f32
    %mul3A_11 = vector.broadcast %mul3A_10 : f32 to vector<1x16384xf32>
    %mul3A_12 = arith.mulf %reshape3A, %mul3A_11 : vector<1x16384xf32>
    %exp3A = math.exp %mul3A_12 : vector<1x16384xf32>
    %get3A_13 = arith.constant 0 : index
    %get3A_14 = arith.constant 0 : index
    %get3A_15 = vector.load %arg5[%get3A_13, %get3A_14] : memref<64x1xf32, #tpu.memory_space<vmem>>, vector<64x1xf32>
    %sub3A = vector.broadcast %exp3A : vector<1x16384xf32> to vector<64x16384xf32>
    %sub3A_16 = vector.broadcast %get3A_15 : vector<64x1xf32> to vector<64x16384xf32>
    %sub3A_17 = arith.subf %sub3A, %sub3A_16 : vector<64x16384xf32>
    %get3A_18 = arith.constant 0 : index
    %get3A_19 = arith.constant 0 : index
    %get3A_20 = vector.load %arg6[%get3A_18, %get3A_19] : memref<64x1xf32, #tpu.memory_space<vmem>>, vector<64x1xf32>
    %neg3A = arith.constant 0.000000e+00 : f32
    %neg3A_21 = vector.broadcast %neg3A : f32 to vector<64x1xf32>
    %neg3A_22 = arith.subf %neg3A_21, %get3A_20 : vector<64x1xf32>
    %mul3A_23 = vector.broadcast %neg3A_22 : vector<64x1xf32> to vector<64x16384xf32>
    %mul3A_24 = arith.mulf %mul3A_23, %sub3A_17 : vector<64x16384xf32>
    %mul3A_25 = arith.mulf %mul3A_24, %sub3A_17 : vector<64x16384xf32>
    %exp3A_26 = math.exp %mul3A_25 : vector<64x16384xf32>
    %mul3A_27 = vector.broadcast %select_n3A : vector<1x16384xf32> to vector<64x16384xf32>
    %mul3A_28 = arith.mulf %mul3A_27, %exp3A_26 : vector<64x16384xf32>
    %convert_element_type3A = arith.truncf %mul3A_28 : vector<64x16384xf32> to vector<64x16384xbf16>
    %get3A_29 = arith.constant 0 : index
    %get3A_30 = arith.constant 0 : index
    %get3A_31 = vector.load %arg7[%get3A_29, %get3A_30] : memref<64x128xbf16, #tpu.memory_space<vmem>>, vector<64x128xbf16>
    %dot_general3A = arith.constant dense<0.000000e+00> : vector<16384x128xf32>
    %dot_general3A_32 = tpu.matmul %convert_element_type3A, %get3A_31, %dot_general3A {dimension_numbers = #tpu.dot_dimension_numbers<[0], [0], [1], [1], [0, 1, 1, 1], [], []>, transpose_lhs_hint = false} : vector<64x16384xbf16>, vector<64x128xbf16>, vector<16384x128xf32> -> vector<16384x128xf32>
    %get3A_33 = arith.constant 0 : index
    %get3A_34 = arith.constant 0 : index
    %get3A_35 = vector.load %arg8[%get3A_33, %get3A_34] : memref<1x128xf32, #tpu.memory_space<vmem>>, vector<1x128xf32>
    %add3A_36 = vector.broadcast %get3A_35 : vector<1x128xf32> to vector<16384x128xf32>
    %add3A_37 = arith.addf %dot_general3A_32, %add3A_36 : vector<16384x128xf32>
    %swap3A = arith.constant 0 : index
    %swap3A_38 = arith.constant 0 : index
    %swap3A_39 = vector.load %arg9[%swap3A, %swap3A_38] : memref<16384x128xf32, #tpu.memory_space<vmem>>, vector<16384x128xf32>
    tpu.vector_store %arg9[%swap3A, %swap3A_38], %add3A_37 {strides = array<i32>} : memref<16384x128xf32, #tpu.memory_space<vmem>>, vector<16384x128xf32>,
    %get3A_40 = arith.constant 0 : index
    %get3A_41 = vector.load %arg2[%get3A_40] : memref<16384xf32, #tpu.memory_space<vmem>>, vector<16384xf32>
    %reshape3A_42 = vector.shape_cast %get3A_41 : vector<16384xf32> to vector<1x16384xf32>
    %get3A_43 = arith.constant 0 : index
    %get3A_44 = vector.load %arg3[%get3A_43] : memref<16384xf32, #tpu.memory_space<vmem>>, vector<16384xf32>
    %reshape3A_45 = vector.shape_cast %get3A_44 : vector<16384xf32> to vector<1x16384xf32>
    %get3A_46 = arith.constant 0 : index
    %get3A_47 = vector.load %arg4[%get3A_46] : memref<16384xf32, #tpu.memory_space<vmem>>, vector<16384xf32>
    %reshape3A_48 = vector.shape_cast %get3A_47 : vector<16384xf32> to vector<1x16384xf32>
    %concatenate3A = tpu.concatenate %reshape3A_42, %reshape3A_45, %reshape3A_48 in 0 : vector<1x16384xf32>, vector<1x16384xf32>, vector<1x16384xf32> -> vector<3x16384xf32>
    %swap3A_49 = arith.constant 0 : index
    %swap3A_50 = arith.constant 0 : index
    %swap3A_51 = vector.load %arg10[%swap3A_49, %swap3A_50] : memref<3x16384xf32, #tpu.memory_space<vmem>>, vector<3x16384xf32>
    tpu.vector_store %arg10[%swap3A_49, %swap3A_50], %concatenate3A {strides = array<i32>} : memref<3x16384xf32, #tpu.memory_space<vmem>>, vector<3x16384xf32>,
    return
  }
  func.func @transform_0(%arg0: i32) -> i32 {
    %c0_i32 = arith.constant 0 : i32
    return %arg0 : i32
  }
  func.func @transform_1(%arg0: i32) -> i32 {
    %c0_i32 = arith.constant 0 : i32
    return %arg0 : i32
  }
  func.func @transform_2(%arg0: i32) -> i32 {
    %c0_i32 = arith.constant 0 : i32
    return %arg0 : i32
  }
  func.func @transform_3(%arg0: i32) -> i32 {
    %c0_i32 = arith.constant 0 : i32
    return %arg0 : i32
  }
  func.func @transform_4(%arg0: i32) -> (i32, i32) {
    %c0_i32 = arith.constant 0 : i32
    %c0_i32_0 = arith.constant 0 : i32
    %c0_i32_1 = arith.constant 0 : i32
    return %c0_i32, %c0_i32_0 : i32, i32
  }
  func.func @transform_5(%arg0: i32) -> (i32, i32) {
    %c0_i32 = arith.constant 0 : i32
    %c0_i32_0 = arith.constant 0 : i32
    %c0_i32_1 = arith.constant 0 : i32
    return %c0_i32, %c0_i32_0 : i32, i32
  }
  func.func @transform_6(%arg0: i32) -> (i32, i32) {
    %c0_i32 = arith.constant 0 : i32
    %c0_i32_0 = arith.constant 0 : i32
    %c0_i32_1 = arith.constant 0 : i32
    return %c0_i32, %c0_i32_0 : i32, i32
  }
  func.func @transform_7(%arg0: i32) -> (i32, i32) {
    %c0_i32 = arith.constant 0 : i32
    %c0_i32_0 = arith.constant 0 : i32
    %c0_i32_1 = arith.constant 0 : i32
    return %c0_i32, %c0_i32_0 : i32, i32
  }
  func.func @transform_8(%arg0: i32) -> (i32, i32) {
    %c0_i32 = arith.constant 0 : i32
    %c0_i32_0 = arith.constant 0 : i32
    return %arg0, %c0_i32 : i32, i32
  }
  func.func @transform_9(%arg0: i32) -> (i32, i32) {
    %c0_i32 = arith.constant 0 : i32
    %c0_i32_0 = arith.constant 0 : i32
    return %c0_i32, %arg0 : i32, i32
  }
}

</mosaic_0001>

<sc_bundles>
// kernel: kernel.4.cloned.1.call-start
scs
__scs_entry_jumppad:
0x0: {  	(pc) =	sbr.rel $0x88, $3  }
0x1: {  	(tag) =	ssettag $0x0;
	lr =	simm.s32 $0x1  }
0x2: {  	[smem:$0x3F9A] =	sst lr;
	_ =	strace $0xD0000000  }
0x3: {  	_ = 	snop  }
0x4: {  	_ = 	snop  }
0x5: {  	_ = 	snop  }
0x6: {  	_ = 	snop  }
0x7: {  	_ = 	snop  }
__scs_overlays_trampoline_lowered:
0x8: {  	[smem:$0x3FA9] =	sst s0  }
0x9: {  	[smem:$0x3FAA] =	sst s1  }
0xa: {  	[smem:$0x3FAB] =	sst s2  }
0xb: {  	[smem:$0x3FAC] =	sst s3  }
0xc: {  	[smem:$0x3FAD] =	sst s4  }
0xd: {  	[smem:$0x3FAE] =	sst s5  }
0xe: {  	[smem:$0x3FAF] =	sst s6  }
0xf: {  	[smem:$0x3FB0] =	sst s7  }
0x10: {  	[smem:$0x3FB1] =	sst s8  }
0x11: {  	[smem:$0x3FB2] =	sst s9;
	s0 =	simm.s32 @!p0 $0x0  }
0x12: {  	s1 =	sld [smem:$0x3F98];
	s0 =	simm.s32 @p0 $0x1  }
0x13: {  	[smem:$0x3FB3] =	sst s0;
	s0 =	simm.s32 @!p1 $0x0  }
0x14: {  	s2 =	sld [smem:$0x3F97];
	s0 =	simm.s32 @p1 $0x1  }
0x15: {  	[smem:$0x3FB4] =	sst s0;
	s0 =	simm.s32 @!p2 $0x0  }
0x16: {  	s3 =	sld [smem:$0x3FDB];
	s0 =	simm.s32 @p2 $0x1  }
0x17: {  	s4 =	simm.s32 $0x1BF5;
	[smem:$0x3FB6] =	sst s0  }
0x18: {  	s0 =	sld [smem:$0x3F99];
	_ =	swait.ge [sflag:s4], $0x0  }
0x19: {  	s7 =	sld [smem:$0x3F9A]  }
0x1a: {  	s8 =	sadd.s32 $0xFFFFE003, lr  }
0x1b: {  	s9 =	sadd.s32 $0xFFFFFEF7, lr;
	s5 =	simm.s32 $0xFFFFFFFF;
	p2 =	slt.u32 s8, $0xFFFFF086  }
0x1c: {  	p1 =	slt.u32 s9, $0xF7A;
	s5 =	simm.s32 @!p2 $0x0  }
0x1d: {  	s5 =	simm.s32 @p1 $0x1;
	p0 =	seq.s32 s7, s2  }
0x1e: {  	s7 =	smul.u32 @!p0 $0xF7A, s2;
	p2 =	seq.s32 @!p0 s5, $0x0  }
0x1f: {  	s9 =	smul.u32 $0xF7A, s1;
	s8 =	simm.s32 @!p0 $0x1BF5;
	p2 =	por !p2, p0  }
0x20: {  	[sflag:s8] =	ssyncset.s32 @!p0 $0xFFFFF086;
	s6 =	sadd.s32 @!p0 s3, s7;
	s7 =	simm.s32 @!p0 $0x108  }
0x21: {  	s3 =	sadd.s32 s3, s9;
	s6 =	sadd.s32 @!p0 $0x88, s6;
	s7 =	simm.s32 @p2 $0x1082  }
0x22: {  	[simem:s7], [sflag:s8] =	dma.local @!p0 [hbm:s6], $0xF7A  }
0x23: {  	s9 =	sor.u32 $0xD0000000, s2;
	s6 =	simm.s32 $0x108;
	_ =	swait.ge @!p0 [sflag:s8], $0x0  }
0x24: {  	s3 =	sadd.s32 $0x88, s3;
	s6 =	simm.s32 @!p1 $0x1082;
	[sflag:s4] =	ssyncset.s32 $0xFFFFF086  }
0x25: {  	[simem:s6], [sflag:s4] =	dma.local [hbm:s3], $0xF7A  }
0x26: {  	[smem:$0x3F9A] =	sst s1;
	(tag) =	ssettag s2;
	_ =	strace s9  }
0x27: {  	s1 =	sld [smem:$0x3FAA]  }
0x28: {  	s2 =	sld [smem:$0x3FAB]  }
0x29: {  	s4 =	sld [smem:$0x3FAD]  }
0x2a: {  	p0 =	seq.s32 s5, $0x0;
	s5 =	sld [smem:$0x3FAE]  }
0x2b: {  	s6 =	sld [smem:$0x3FAF]  }
0x2c: {  	s7 =	sld [smem:$0x3FB0]  }
0x2d: {  	s3 =	simm.s32 $0x108;
	s8 =	sld [smem:$0x3FB1]  }
0x2e: {  	s3 =	simm.s32 @!p0 $0x1082;
	s9 =	sld [smem:$0x3FB2]  }
0x2f: {  	lr =	sadd.s32 s0, s3;
	s0 =	sld [smem:$0x3FA9]  }
0x30: {  	s3 =	sld [smem:$0x3FAC]  }
0x31: {  	[smem:$0x3FB5] =	sst s10  }
0x32: {  	s10 =	sld [smem:$0x3FB3];
	_ =	sdelay $0x3  }
0x33: {  	p0 =	seq.s32 s10, $0x1;
	s10 =	sld [smem:$0x3FB5];
	_ =	sdelay $0x3  }
0x34: {  	[smem:$0x3FB5] =	sst s10  }
0x35: {  	s10 =	sld [smem:$0x3FB4];
	_ =	sdelay $0x3  }
0x36: {  	p1 =	seq.s32 s10, $0x1;
	s10 =	sld [smem:$0x3FB5];
	_ =	sdelay $0x3  }
0x37: {  	[smem:$0x3FB5] =	sst s10  }
0x38: {  	s10 =	sld [smem:$0x3FB6]  }
0x39: {  	_ = 	snop;
	(pc) =	sbr.ind lr, $3  }
0x3a: {  	_ = 	snop  }
0x3b: {  	_ = 	snop  }
0x3c: {  	p2 =	seq.s32 s10, $0x1;
	s10 =	sld [smem:$0x3FB5]  }
0x3d: {  	_ =	shalt  }
0x3e: {  	_ =	shalt  }
0x3f: {  	_ =	shalt  }
0x40: {  	_ =	shalt  }
0x41: {  	_ =	shalt  }
0x42: {  	_ =	shalt  }
0x43: {  	_ =	shalt  }
0x44: {  	_ =	shalt  }
0x45: {  	_ =	shalt  }
0x46: {  	_ =	shalt  }
0x47: {  	_ =	shalt  }
0x48: {  	_ =	shalt  }
0x49: {  	_ =	shalt  }
0x4a: {  	_ =	shalt  }
0x4b: {  	_ =	shalt  }
0x4c: {  	_ =	shalt  }
0x4d: {  	_ =	shalt  }
0x4e: {  	_ =	shalt  }
0x4f: {  	_ =	shalt  }
0x50: {  	_ =	shalt  }
0x51: {  	_ =	shalt  }
0x52: {  	_ =	shalt  }
0x53: {  	_ =	shalt  }
0x54: {  	_ =	shalt  }
0x55: {  	_ =	shalt  }
0x56: {  	_ =	shalt  }
0x57: {  	_ =	shalt  }
0x58: {  	_ =	shalt  }
0x59: {  	_ =	shalt  }
0x5a: {  	_ =	shalt  }
0x5b: {  	_ =	shalt  }
0x5c: {  	_ =	shalt  }
0x5d: {  	_ =	shalt  }
0x5e: {  	_ =	shalt  }
0x5f: {  	_ =	shalt  }
0x60: {  	_ =	shalt  }
0x61: {  	_ =	shalt  }
0x62: {  	_ =	shalt  }
0x63: {  	_ =	shalt  }
0x64: {  	_ =	shalt  }
0x65: {  	_ =	shalt  }
0x66: {  	_ =	shalt  }
0x67: {  	_ =	shalt  }
0x68: {  	_ =	shalt  }
0x69: {  	_ =	shalt  }
0x6a: {  	_ =	shalt  }
0x6b: {  	_ =	shalt  }
0x6c: {  	_ =	shalt  }
0x6d: {  	_ =	shalt  }
0x6e: {  	_ =	shalt  }
0x6f: {  	_ =	shalt  }
0x70: {  	_ =	shalt  }
0x71: {  	_ =	shalt  }
0x72: {  	_ =	shalt  }
0x73: {  	_ =	shalt  }
0x74: {  	_ =	shalt  }
0x75: {  	_ =	shalt  }
0x76: {  	_ =	shalt  }
0x77: {  	_ =	shalt  }
0x78: {  	_ =	shalt  }
0x79: {  	_ =	shalt  }
0x7a: {  	_ =	shalt  }
0x7b: {  	_ =	shalt  }
0x7c: {  	_ =	shalt  }
0x7d: {  	_ =	shalt  }
0x7e: {  	_ =	shalt  }
0x7f: {  	_ =	shalt  }
0x80: {  	_ =	shalt  }
0x81: {  	_ =	shalt  }
0x82: {  	_ =	shalt  }
0x83: {  	_ =	shalt  }
0x84: {  	_ =	shalt  }
0x85: {  	_ =	shalt  }
0x86: {  	_ =	shalt  }
0x87: {  	_ =	shalt  }
.Lfunc_end0:
.L_simem_size_0:
called_computation_lowered:
.L_overlay_start_0:
0x88: {  	s2 =	sld [smem:$0x3FD9]  }
0x89: {  	s3 =	sld [smem:$0x3FFE];
	_ =	sdelay $0x1  }
0x8a: {  	s1 =	srdreg.scid  }
0x8b: {  	s0 =	sand.u32 $0x1, s1  }
0x8c: {  	s14 =	sshll.u32 s0, $0xA;
	s2 =	sadd.s32 s3, s2  }
0x8d: {  	s2 =	sadd.s32 s2, s14  }
0x8e: {  	[smem:$0x3FC1] =	sst s2  }
0x8f: {  	_ = 	snop  }
0x90: {  	s2 =	sld [smem:$0x3FD0];
	_ =	sdelay $0x2  }
0x91: {  	s15 =	simm.s32 $0xA;
	s4 =	simm.s32 $0x10  }
0x92: {  	[smem:s4], [sflag:s15] =	dma.local [hbm:s2], $0x1  }
0x93: {  	_ =	swait.eq [sflag:s15], $0x1  }
0x94: {  	s16 =	sld [smem:$0x10]  }
0x95: {  	s17 =	sld [smem:$0x11];
	[sflag:s15] =	ssyncset.done $0x0  }
0x96: {  	s5 =	sld [smem:$0x12];
	[sflag:s15] =	ssyncadd.s32 $0xFFFFFFFF  }
0x97: {  	s18 =	sld [smem:$0x13];
	(tm) =	ssettm $0x1  }
0x98: {  	s6 =	sld [smem:$0x3FFB];
	_ =	sdelay $0x3  }
0x99: {  	_ =	strace s6  }
0x9a: {  	s6 =	sld [smem:$0x3FFC];
	_ =	sdelay $0x3  }
0x9b: {  	_ =	strace s6  }
0x9c: {  	s6 =	sld [smem:$0x3FFD];
	_ =	sdelay $0x3  }
0x9d: {  	_ =	strace s6  }
0x9e: {  	_ =	strace $0x8FFFFFFF  }
0x9f: {  	s19 =	sld [smem:$0x3FDB];
	_ =	sdelay $0x1  }
0xa0: {  	s7 =	simm.s32 $_scs_section_size  }
0xa1: {  	s8 =	simm.s32 $_size__tile_overlayer_lowered;
	s9 =	simm.s32 $_tile_overlayer_lowered  }
0xa2: {  	s22 =	simm.s32 $0x1BFF;
	s21 =	sshll.u32 s9, $0x1;
	s6 =	sadd.s32 s7, s19  }
0xa3: {  	s10 =	simm.s32 $0x0;
	s20 =	sshll.u32 s8, $0x1;
	s8 =	sadd.s32 s21, s6  }
0xa4: {  	[timem:s10], [sflag:s22] =	dma.local [hbm:s8], s20  }
0xa5: {  	_ =	swait.ge [sflag:s22], s20  }
0xa6: {  	s7 =	ssub.s32 $0x0, s20;
	[sflag:s22] =	ssyncset.done $0x0  }
0xa7: {  	[sflag:s22] =	ssyncadd.s32 s7;
	_ =	sdelay $0x1  }
0xa8: {  	s23 =	simm.s32 $0x1B8B  }
0xa9: {  	_ =	swait.ge [sflag:s23], $0x1  }
0xaa: {  	[sflag:s23] =	ssyncset.done $0x0  }
0xab: {  	s25 =	simm.s32 $0x1B8E;
	s24 =	sld [smem:$0x3FFE];
	[sflag:s23] =	ssyncadd.s32 $0xFFFFFFFF  }
0xac: {  	s26 =	simm.s32 $execute0_lowered;
	[smem:$0x3FD2] =	sst s25  }
0xad: {  	s8 =	sshll.u32 s26, $0x1;
	_ =	strace $0x80000046;
	[dreg:$0x1] =	wrdreg $0xFFFFFFFF  }
0xae: {  	s28 =	simm.s32 $_size_execute0_lowered;
	s6 =	sadd.s32 s6, s8;
	[dreg:$0x0] =	wrdreg $0x0  }
0xaf: {  	s8 =	sshll.u32 s28, $0x1;
	[dreg:$0x2] =	wrdreg s6  }
0xb0: {  	[dreg:$0x3] =	wrdreg s8  }
0xb1: {  	[dreg:$0x4] =	wrdreg $0xC0  }
0xb2: {  	_ =	task [dreg:s10], $0x5FFFF  }
0xb3: {  	[dreg:$0x1] =	wrdreg $0xFFFFFFFF  }
0xb4: {  	[dreg:$0x0] =	wrdreg $0x60  }
0xb5: {  	[dreg:$0x2] =	wrdreg s16  }
0xb6: {  	[dreg:$0x3] =	wrdreg s24  }
0xb7: {  	[dreg:$0x4] =	wrdreg s17  }
0xb8: {  	[dreg:$0x5] =	wrdreg s18  }
0xb9: {  	[dreg:$0x6] =	wrdreg s5  }
0xba: {  	[dreg:$0x7] =	wrdreg $0x9  }
0xbb: {  	_ =	task.clear_ibuf [dreg:s10], $0x8FFFF;
	_ =	strace $0x90000046  }
0xbc: {  	s29 =	simm.s32 $0x9;
	_ =	strace $0x80000048  }
0xbd: {  	_ =	swait.ge [sflag:s29], $0x1  }
0xbe: {  	[sflag:s29] =	ssyncadd.s32 $0xFFFFFFFF  }
0xbf: {  	_ =	strace $0x90000048  }
0xc0: {  	_ =	sfence  }
0xc1: {  	s30 =	sld [smem:$0x0];
	_ =	sdelay $0x2  }
0xc2: {  	s31 =	sshll.u32 s1, $0xD;
	s1 =	sshrl.u32 s1, $0x2  }
0xc3: {  	s3 =	sand.u32 $0x4000, s31;
	s1 =	sadd.s32 s1, s30  }
0xc4: {  	s0 =	sor.u32 s3, s0;
	s1 =	sshll.u32 s1, $0x11  }
0xc5: {  	s0 =	sor.u32 s1, s0  }
0xc6: {  	s0 =	sadd.s32 $0x8F2B, s0  }
0xc7: {  	[sflag:s0] =	ssyncadd.remote.s32 $0x1  }
0xc8: {  	_ =	sfence.sel $0xFFFF  }
0xc9: {  	[dreg:$0x0] =	wrdreg $0xFFFFFFFF;
	(pc) =	sbr.abs _section_cstart, $3  }
0xca: {  	[dreg:$0x1] =	wrdreg $0xFFFFFFFF  }
0xcb: {  	_ =	task.clear_ibuf [dreg:s10], $0x2FFFF;
	_ =	strace $0x9FFFFFFF  }
0xcc: {  	(tm) =	ssettm $0x7FFFFFFF  }
0xcd: {  	_ =	shalt  }
tec
execute0_lowered:
.L_overlay_start_1:
0x0: {  	(tag) =	ssettag $0x1  }
0x1: {  	s5 =	rddreg [dreg:$0x0]  }
0x2: {  	s6 =	rddreg [dreg:$0x1]  }
0x3: {  	s7 =	rddreg [dreg:$0x2]  }
0x4: {  	s8 =	rddreg [dreg:$0x3];
	s1 =	srdreg.scid  }
0x5: {  	s0 =	stileid.u32;
	s9 =	rddreg [dreg:$0x4];
	s2 =	simm.s32 $0x0  }
0x6: {  	s14 =	simm.s32 $0xEA60;
	s15 =	simm.s32 $0x11170;
	s16 =	simm.s32 $0x13880  }
0x7: {  	s17 =	simm.s32 $0x15F90;
	s18 =	simm.s32 $0x186A0;
	s19 =	simm.s32 $0x1ADB0  }
0x8: {  	s4 =	sand.u32 $0x1, s1;
	s3 =	sshll.u32 s0, $0x1;
	s1 =	rddreg [dreg:$0x5]  }
0x9: {  	s20 =	simm.s32 $0x0;
	[smem:$0x7FF] =	sst s2;
	s3 =	sor.u32 s4, s3  }
0xa: {  	_ =	strace $0x80000047;
	s11 =	ssub.s32 $0x2, s4;
	s10 =	smul.u32 $0x2710, s3  }
0xb: {  	s4 =	sadd.s32 $0x2000, s6;
	s3 =	sadd.s32 $0x3000, s6;
	s12 =	sshrl.u32 s11, $0x1  }
0xc: {  	s11 =	ssub.s32 s11, s12;
	s12 =	simm.s32 $0x1;
	s10 =	sshrl.u32 s10, $0x3  }
0xd: {  	s11 =	smax.u32 s11, $0x1;
	s13 =	sadd.s32 s10, s6;
	s5 =	sadd.s32 s5, s10  }
0xe: {  	s7 =	sadd.s32 s7, s10;
	s8 =	sadd.s32 s8, s10;
	s9 =	sadd.s32 s9, s10  }
0xf: {  	s6 =	sadd.s32 $0x9C40, s5;
	s10 =	sadd.s32 $0x4000, s13;
	s13 =	simm.s32 $0x7530  }
.LBB2_1:
0x10: {  	[tilespmem:s2], [sflag:$0x1] =	stream.linear.gather [hbm4b:s3+s2], $0x7530, $0x38;
	[tilespmem:$0x1D4C0] =	vst v63  }
0x11: {  	_ =	swait.ge [sflag:s12], $0x7530  }
0x12: {  	[sflag:s12] =	ssyncset.done $0x0  }
0x13: {  	[sflag:s12] =	ssyncadd.s32 $0xFFFF8AD0  }
0x14: {  	[tilespmem:s13], [sflag:$0x1] =	stream.linear.gather [hbm4b:s4+s2], $0x7530, $0x38;
	[tilespmem:$0x1D4C0] =	vst v63  }
0x15: {  	_ =	swait.ge [sflag:s12], $0x7530  }
0x16: {  	[sflag:s12] =	ssyncset.done $0x0  }
0x17: {  	[sflag:s12] =	ssyncadd.s32 $0xFFFF8AD0  }
0x18: {  	[tilespmem:s14], [sflag:$0x1] =	stream.linear.gather [hbm4b:s5+s2], $0x2710, $0x38;
	[tilespmem:$0x1D4C0] =	vst v63  }
0x19: {  	_ =	swait.ge [sflag:s12], $0x2710  }
0x1a: {  	[sflag:s12] =	ssyncset.done $0x0  }
0x1b: {  	s21 =	simm.s32 $0xFFFFFFFE;
	[sflag:s12] =	ssyncadd.s32 $0xFFFFD8F0  }
0x1c: {  	[tilespmem:s15], [sflag:$0x1] =	stream.linear.gather [hbm4b:s6+s2], $0x2710, $0x38;
	[tilespmem:$0x1D4C0] =	vst v63  }
0x1d: {  	s22 =	simm.s32 $0xEA70;
	s23 =	simm.s32 $0x11180;
	_ =	swait.ge [sflag:s12], $0x2710  }
0x1e: {  	s24 =	simm.s32 $0x13890;
	s25 =	simm.s32 $0x15FA0;
	[sflag:s12] =	ssyncset.done $0x0  }
0x1f: {  	s26 =	simm.s32 $0x186B0;
	s28 =	simm.s32 $0x1ADC0;
	[sflag:s12] =	ssyncadd.s32 $0xFFFFD8F0  }
.LBB2_2:
0x20: {  	v0 =	vld [tilespmem:s22+$0xFFFFFFF0]  }
0x21: {  	v1 =	vld [tilespmem:s23+$0xFFFFFFF0];
	_ =	sdelay $0x3  }
0x22: {  	v2 =	vadd.s32 $0x2710, v0  }
0x23: {  	v3 =	vadd.s32 $0x2710, v1  }
0x24: {  	v4 =	vadd.s32 $0x4E20, v0  }
0x25: {  	v5 =	vadd.s32 $0x4E20, v1;
	v0 =	vld.idx.msk [tilespmem:v0+s2+$0x0], $0xffff  }
0x26: {  	v1 =	vld.idx.msk [tilespmem:v1+s13+$0x0], $0xffff  }
0x27: {  	v2 =	vld.idx.msk [tilespmem:v2+s2+$0x0], $0xffff  }
0x28: {  	v3 =	vld.idx.msk [tilespmem:v3+s13+$0x0], $0xffff  }
0x29: {  	v4 =	vld.idx.msk [tilespmem:v4+s2+$0x0], $0xffff  }
0x2a: {  	v5 =	vld.idx.msk [tilespmem:v5+s13+$0x0], $0xffff;
	_ =	sdelay $0x2  }
0x2b: {  	v0 =	vsub.f32 v0, v1;
	v45 =	vsub.f32 v2, v3;
	_ =	sdelay $0x1  }
0x2c: {  	v46 =	vsub.f32 v4, v5;
	v47 =	vmul.f32 v0, v0;
	v48 =	vmul.f32 v45, v45;
	_ =	sdelay $0x1  }
0x2d: {  	v49 =	vmul.f32 v46, v46;
	v3 =	vadd.f32 v48, v47;
	_ =	sdelay $0x1  }
0x2e: {  	v3 =	vadd.f32 v49, v3;
	_ =	sdelay $0x1  }
0x2f: {  	v4 =	vshra.s32 v3, $0x1;
	v50 =	vmul.f32 $5.000000000e-01, v3  }
0x30: {  	v4 =	vsub.s32 $0x5F3759DF, v4  }
0x31: {  	v6 =	vmul.f32 v4, v50;
	_ =	sdelay $0x1  }
0x32: {  	v6 =	vmul.f32 v4, v6;
	_ =	sdelay $0x1  }
0x33: {  	v6 =	vsub.f32 $1.500000000e+00, v6;
	_ =	sdelay $0x1  }
0x34: {  	v4 =	vmul.f32 v4, v6;
	_ =	sdelay $0x1  }
0x35: {  	v5 =	vmul.f32 v4, v50;
	_ =	sdelay $0x1  }
0x36: {  	v5 =	vmul.f32 v5, v4;
	_ =	sdelay $0x1  }
0x37: {  	v5 =	vsub.f32 $1.500000000e+00, v5;
	_ =	sdelay $0x1  }
0x38: {  	v4 =	vmul.f32 v5, v4;
	_ =	sdelay $0x1  }
0x39: {  	v3 =	vmul.f32 v4, v3  }
0x3a: {  	v0 =	vmul.f32 v4, v0  }
0x3b: {  	v1 =	vmul.f32 v4, v45;
	[tilespmem:s24+$0xFFFFFFF0] =	vst v3  }
0x3c: {  	v51 =	vmul.f32 v4, v46;
	[tilespmem:s25+$0xFFFFFFF0] =	vst v0  }
0x3d: {  	[tilespmem:s26+$0xFFFFFFF0] =	vst v1  }
0x3e: {  	[tilespmem:s28+$0xFFFFFFF0] =	vst v51  }
0x3f: {  	v0 =	vld [tilespmem:s22+$0x0]  }
0x40: {  	v1 =	vld [tilespmem:s23+$0x0];
	_ =	sdelay $0x3  }
0x41: {  	v52 =	vadd.s32 $0x2710, v0  }
0x42: {  	v53 =	vadd.s32 $0x2710, v1  }
0x43: {  	v54 =	vadd.s32 $0x4E20, v0  }
0x44: {  	v55 =	vadd.s32 $0x4E20, v1;
	v0 =	vld.idx.msk [tilespmem:v0+s2+$0x0], $0xffff  }
0x45: {  	v1 =	vld.idx.msk [tilespmem:v1+s13+$0x0], $0xffff  }
0x46: {  	v2 =	vld.idx.msk [tilespmem:v52+s2+$0x0], $0xffff  }
0x47: {  	v3 =	vld.idx.msk [tilespmem:v53+s13+$0x0], $0xffff  }
0x48: {  	v4 =	vld.idx.msk [tilespmem:v54+s2+$0x0], $0xffff  }
0x49: {  	v5 =	vld.idx.msk [tilespmem:v55+s13+$0x0], $0xffff;
	_ =	sdelay $0x2  }
0x4a: {  	v0 =	vsub.f32 v0, v1;
	v56 =	vsub.f32 v2, v3;
	_ =	sdelay $0x1  }
0x4b: {  	v57 =	vsub.f32 v4, v5;
	v58 =	vmul.f32 v0, v0;
	v59 =	vmul.f32 v56, v56;
	_ =	sdelay $0x1  }
0x4c: {  	v60 =	vmul.f32 v57, v57;
	v3 =	vadd.f32 v59, v58;
	_ =	sdelay $0x1  }
0x4d: {  	v3 =	vadd.f32 v60, v3;
	_ =	sdelay $0x1  }
0x4e: {  	v4 =	vshra.s32 v3, $0x1;
	v61 =	vmul.f32 $5.000000000e-01, v3  }
0x4f: {  	v4 =	vsub.s32 $0x5F3759DF, v4  }
0x50: {  	v62 =	vmul.f32 v4, v61;
	_ =	sdelay $0x1  }
0x51: {  	v6 =	vmul.f32 v4, v62;
	_ =	sdelay $0x1  }
0x52: {  	v6 =	vsub.f32 $1.500000000e+00, v6;
	_ =	sdelay $0x1  }
0x53: {  	v4 =	vmul.f32 v4, v6;
	_ =	sdelay $0x1  }
0x54: {  	v5 =	vmul.f32 v4, v61;
	_ =	sdelay $0x1  }
0x55: {  	v5 =	vmul.f32 v5, v4;
	_ =	sdelay $0x1  }
0x56: {  	v5 =	vsub.f32 $1.500000000e+00, v5;
	_ =	sdelay $0x1  }
0x57: {  	v4 =	vmul.f32 v5, v4  }
0x58: {  	s21 =	sadd.s32 $0x2, s21  }
0x59: {  	p0 =	slt.u32 s21, $0x26E;
	v3 =	vmul.f32 v4, v3  }
.Ltmp0:
0x5a: {  	v0 =	vmul.f32 v4, v0;
	(pc) =	sbr.rel @p0 .LBB2_2-.Ltmp0, $4  }
0x5b: {  	v1 =	vmul.f32 v4, v56;
	[tilespmem:s24+$0x0] =	vst v3  }
0x5c: {  	v63 =	vmul.f32 v4, v57;
	[tilespmem:s25+$0x0] =	vst v0  }
0x5d: {  	s22 =	sadd.s32 $0x20, s22;
	s23 =	sadd.s32 $0x20, s23;
	s24 =	sadd.s32 $0x20, s24;
	[tilespmem:s26+$0x0] =	vst v1  }
0x5e: {  	s25 =	sadd.s32 $0x20, s25;
	s26 =	sadd.s32 $0x20, s26;
	[tilespmem:s28+$0x0] =	vst v63;
	s28 =	sadd.s32 $0x20, s28  }
0x5f: {  	v0 =	vld [tilespmem:$0x11160]  }
0x60: {  	v1 =	vld [tilespmem:$0x13870];
	_ =	sdelay $0x3  }
0x61: {  	v2 =	vadd.s32 $0x2710, v0  }
0x62: {  	v3 =	vadd.s32 $0x2710, v1  }
0x63: {  	v4 =	vadd.s32 $0x4E20, v0  }
0x64: {  	v5 =	vadd.s32 $0x4E20, v1;
	v0 =	vld.idx.msk [tilespmem:v0+s2+$0x0], $0xffff  }
0x65: {  	v1 =	vld.idx.msk [tilespmem:v1+s13+$0x0], $0xffff  }
0x66: {  	v2 =	vld.idx.msk [tilespmem:v2+s2+$0x0], $0xffff  }
0x67: {  	v3 =	vld.idx.msk [tilespmem:v3+s13+$0x0], $0xffff  }
0x68: {  	v4 =	vld.idx.msk [tilespmem:v4+s2+$0x0], $0xffff  }
0x69: {  	v5 =	vld.idx.msk [tilespmem:v5+s13+$0x0], $0xffff;
	_ =	sdelay $0x2  }
0x6a: {  	v0 =	vsub.f32 v0, v1;
	v57 =	vsub.f32 v2, v3;
	_ =	sdelay $0x1  }
0x6b: {  	v58 =	vsub.f32 v4, v5;
	v59 =	vmul.f32 v0, v0;
	v60 =	vmul.f32 v57, v57;
	_ =	sdelay $0x1  }
0x6c: {  	v61 =	vmul.f32 v58, v58;
	v3 =	vadd.f32 v60, v59;
	_ =	sdelay $0x1  }
0x6d: {  	v3 =	vadd.f32 v61, v3;
	_ =	sdelay $0x1  }
0x6e: {  	v4 =	vshra.s32 v3, $0x1;
	v62 =	vmul.f32 $5.000000000e-01, v3  }
0x6f: {  	v4 =	vsub.s32 $0x5F3759DF, v4  }
0x70: {  	v6 =	vmul.f32 v4, v62;
	_ =	sdelay $0x1  }
0x71: {  	v6 =	vmul.f32 v4, v6;
	_ =	sdelay $0x1  }
0x72: {  	v6 =	vsub.f32 $1.500000000e+00, v6;
	_ =	sdelay $0x1  }
0x73: {  	v4 =	vmul.f32 v4, v6;
	_ =	sdelay $0x1  }
0x74: {  	v5 =	vmul.f32 v4, v62;
	_ =	sdelay $0x1  }
0x75: {  	v5 =	vmul.f32 v5, v4;
	_ =	sdelay $0x1  }
0x76: {  	v5 =	vsub.f32 $1.500000000e+00, v5;
	_ =	sdelay $0x1  }
0x77: {  	v4 =	vmul.f32 v5, v4;
	_ =	sdelay $0x1  }
0x78: {  	v3 =	vmul.f32 v4, v3  }
0x79: {  	v0 =	vmul.f32 v4, v0  }
0x7a: {  	v1 =	vmul.f32 v4, v57;
	[tilespmem:$0x15F80] =	vst v3  }
0x7b: {  	v63 =	vmul.f32 v4, v58;
	[tilespmem:$0x18690] =	vst v0  }
0x7c: {  	[tilespmem:$0x1ADA0] =	vst v1  }
0x7d: {  	[tilespmem:$0x1D4B0] =	vst v63  }
0x7e: {  	[hbm4b:s7+s2] =	stream.linear.scatter [tilespmem:s16], [sflag:$0x1], $0x2710, $0x38;
	[tilespmem:$0x1D4C0] =	vst v63  }
0x7f: {  	_ =	swait.ge [sflag:s12], $0x2710  }
0x80: {  	[sflag:s12] =	ssyncset.done $0x0  }
0x81: {  	[sflag:s12] =	ssyncadd.s32 $0xFFFFD8F0  }
0x82: {  	[hbm4b:s8+s2] =	stream.linear.scatter [tilespmem:s17], [sflag:$0x1], $0x2710, $0x38;
	[tilespmem:$0x1D4C0] =	vst v63  }
0x83: {  	_ =	swait.ge [sflag:s12], $0x2710  }
0x84: {  	[sflag:s12] =	ssyncset.done $0x0  }
0x85: {  	[sflag:s12] =	ssyncadd.s32 $0xFFFFD8F0  }
0x86: {  	[hbm4b:s9+s2] =	stream.linear.scatter [tilespmem:s18], [sflag:$0x1], $0x2710, $0x38;
	[tilespmem:$0x1D4C0] =	vst v63  }
0x87: {  	s20 =	sadd.s32 $0x1, s20;
	_ =	swait.ge [sflag:s12], $0x2710  }
0x88: {  	p0 =	sne.s32 s20, s11;
	[sflag:s12] =	ssyncset.done $0x0  }
.Ltmp1:
0x89: {  	[sflag:s12] =	ssyncadd.s32 $0xFFFFD8F0;
	(pc) =	sbr.rel @p0 .LBB2_1-.Ltmp1, $4  }
0x8a: {  	[hbm4b:s10+s2] =	stream.linear.scatter [tilespmem:s19], [sflag:$0x1], $0x2710, $0x38;
	[tilespmem:$0x1D4C0] =	vst v63  }
0x8b: {  	_ =	swait.ge [sflag:s12], $0x2710  }
0x8c: {  	[sflag:s12] =	ssyncset.done $0x0  }
0x8d: {  	[sflag:s12] =	ssyncadd.s32 $0xFFFFD8F0  }
0x8e: {  	_ =	sfence.sel $0x180000  }
0x8f: {  	[bflag:$0x0] =	sbarrier.arrive $0xFFFF  }
0x90: {  	p0 =	sne.s32 s0, $0x0;
	_ =	strace $0x90000047  }
0x91: {  	s0 =	sadd.s32 @!p0 $0x100000, s1;
	[bflag:$0x2] =	sbarrier.arrive $0xFFFF  }
0x92: {  	[sflag:s0] =	ssyncadd.tile.s32 @!p0 $0x1;
	_ =	shalt  }
.Lfunc_end2:
_tile_overlayer_lowered:
.L_overlay_start_2:
0x93: {  	(tag) =	ssettag $0x2  }
0x94: {  	s0 =	rddreg [dreg:$0x0];
	s2 =	stileid.u32  }
0x95: {  	s1 =	rddreg [dreg:$0x1];
	p0 =	sne.s32 s2, $0x0  }
0x96: {  	s3 =	rddreg [dreg:$0x2];
	[bflag:$0x3] =	sbarrier.arrive $0xFFFF;
	s2 =	simm.s32 @!p0 $0x1C01  }
0x97: {  	[timem:s3], [sflag:s2] =	dma.local @!p0 [hbm:s0], s1  }
0x98: {  	s0 =	simm.s32 @!p0 $0x1  }
0x99: {  	_ =	swait.ge @!p0 [sflag:s0], s1  }
0x9a: {  	s1 =	ssub.s32 @!p0 $0x0, s1;
	[sflag:s0] =	ssyncset.done @!p0 $0x0  }
0x9b: {  	[sflag:s0] =	ssyncadd.s32 @!p0 s1  }
0x9c: {  	[bflag:$0x3] =	sbarrier.arrive $0xFFFF  }
0x9d: {  	_ =	shalt  }

</sc_bundles>
